<compile_context>
chip_gen: v7x
topology: tpu7x:2x2x1
jax: 0.10.2.dev20260603
libtpu: 0.0.44.dev20260713+nightly
codegen_flags: <defaults>
</compile_context>

<pallas_src>
import jax
import jax.numpy as jnp
from jax import lax
from jax.experimental import pallas as pl
from jax.experimental.pallas import tpu as pltpu

SEG = 8
NB = 8
F = NB * SEG
C = 512
FOLD = 128
H = 28
W = 28
G = 2
NCB = C // FOLD


def _pool_body(x_ref, o_ref):
    o_ref[0, 0] = jnp.sum(x_ref[0, 0], axis=(-2, -1)) * (1.0 / (H * W))


def _pool(x5):
    return pl.pallas_call(
        _pool_body,
        grid=(F,),
        in_specs=[pl.BlockSpec((1, 1, FOLD, H, W), lambda i: (i, 0, 0, 0, 0))],
        out_specs=pl.BlockSpec((1, 1, FOLD), lambda i: (i, 0, 0)),
        out_shape=jax.ShapeDtypeStruct((F, 1, FOLD), jnp.float32),
    )(x5)


def _sigmoid(v):
    return 1.0 / (1.0 + jnp.exp(-v))


def _nets_body(p_ref, ocw_ref, ocb_ref, f1w_ref, f1b_ref, f2w_ref, f2b_ref,
               wcw_ref, wcb_ref, n0_ref, n1_ref, s0_ref, s1_ref):
    p = p_ref[...]
    zero = jnp.zeros((NB, 1, FOLD), jnp.float32)
    p_m1 = jnp.concatenate([zero, p[:, : SEG - 1]], axis=1)
    p_p1 = jnp.concatenate([p[:, 1:], zero], axis=1)

    ocw = ocw_ref[...]
    t0 = (jnp.sum(p_m1 * ocw[0][None, None, :], axis=-1)
          + jnp.sum(p * ocw[1][None, None, :], axis=-1)
          + jnp.sum(p_p1 * ocw[2][None, None, :], axis=-1)
          + ocb_ref[0, 0])
    t1 = jnp.maximum(
        jnp.dot(t0, f1w_ref[...], preferred_element_type=jnp.float32)
        + f1b_ref[0][None, :], 0.0)
    t2 = (jnp.dot(t1, f2w_ref[...], preferred_element_type=jnp.float32)
          + f2b_ref[0][None, :])
    x_offset = 4.0 * (_sigmoid(t2) - 0.5)
    off_bs = jnp.tile(x_offset, (1, SEG // G))

    off0f = jnp.floor(off_bs)
    o0 = jnp.clip(off0f.astype(jnp.int32), 0, SEG - 1)
    o1 = jnp.clip(off0f.astype(jnp.int32) + 1, 0, SEG - 1)
    w1 = off_bs - off0f
    w0 = 1.0 - w1

    wcw = wcw_ref[...]
    xw = []
    for g in range(G):
        ug = (jnp.sum(p_m1 * wcw[0, :, g][None, None, :], axis=-1)
              + jnp.sum(p * wcw[1, :, g][None, None, :], axis=-1)
              + jnp.sum(p_p1 * wcw[2, :, g][None, None, :], axis=-1)
              + wcb_ref[0, g])
        xw.append(2.0 * _sigmoid(ug))

    b_idx = lax.broadcasted_iota(jnp.int32, (NB, SEG), 0)
    n0_ref[...] = b_idx * SEG + o0
    n1_ref[...] = b_idx * SEG + o1

    xw_chan = jnp.concatenate(
        [jnp.broadcast_to(xw[0][:, :, None], (NB, SEG, FOLD // G)),
         jnp.broadcast_to(xw[1][:, :, None], (NB, SEG, FOLD // G))],
        axis=-1)
    s0_ref[...] = w0[:, :, None] * xw_chan
    s1_ref[...] = w1[:, :, None] * xw_chan


def _nets(pooled, ocw, ocb, f1w, f1b, f2w, f2b, wcw, wcb):
    return pl.pallas_call(
        _nets_body,
        out_shape=[
            jax.ShapeDtypeStruct((NB, SEG), jnp.int32),
            jax.ShapeDtypeStruct((NB, SEG), jnp.int32),
            jax.ShapeDtypeStruct((NB, SEG, FOLD), jnp.float32),
            jax.ShapeDtypeStruct((NB, SEG, FOLD), jnp.float32),
        ],
    )(pooled, ocw, ocb, f1w, f1b, f2w, f2b, wcw, wcb)


def _main_body(n0_ref, n1_ref, g0_ref, g1_ref, xr_ref, s0_ref, s1_ref,
               out_ref):
    j = pl.program_id(1)

    @pl.when(j == 0)
    def _blend():
        s0 = s0_ref[0, 0, :]
        s1 = s1_ref[0, 0, :]
        out_ref[0, 0] = (s0[:, None, None] * g0_ref[0, 0]
                         + s1[:, None, None] * g1_ref[0, 0])

    @pl.when(j != 0)
    def _copy():
        out_ref[0, 0] = xr_ref[0, 0]


def _main(x5, n0, n1, s0x, s1x):
    blk = (1, 1, FOLD, H, W)
    grid_spec = pltpu.PrefetchScalarGridSpec(
        num_scalar_prefetch=2,
        grid=(F, NCB),
        in_specs=[
            pl.BlockSpec(blk, lambda i, j, n0, n1: (n0[i], 0, 0, 0, 0)),
            pl.BlockSpec(blk, lambda i, j, n0, n1: (n1[i], 0, 0, 0, 0)),
            pl.BlockSpec(blk, lambda i, j, n0, n1: (i, jnp.maximum(j, 1), 0, 0, 0)),
            pl.BlockSpec((1, 1, FOLD), lambda i, j, n0, n1: (i, 0, 0)),
            pl.BlockSpec((1, 1, FOLD), lambda i, j, n0, n1: (i, 0, 0)),
        ],
        out_specs=pl.BlockSpec(blk, lambda i, j, n0, n1: (i, j, 0, 0, 0)),
    )
    return pl.pallas_call(
        _main_body,
        grid_spec=grid_spec,
        out_shape=jax.ShapeDtypeStruct((F, NCB, FOLD, H, W), jnp.float32),
    )(n0, n1, x5, x5, x5, s0x, s1x)


def kernel(x, off_conv_w, off_conv_b, off_fc1_w, off_fc1_b, off_fc2_w,
           off_fc2_b, w_conv_w, w_conv_b):
    x5 = x.reshape(F, NCB, FOLD, H, W)
    pooled = _pool(x5).reshape(NB, SEG, FOLD)
    n0, n1, s0x, s1x = _nets(
        pooled,
        off_conv_w.reshape(3, FOLD), off_conv_b.reshape(1, 1),
        off_fc1_w, off_fc1_b.reshape(1, SEG),
        off_fc2_w, off_fc2_b.reshape(1, G),
        w_conv_w, w_conv_b.reshape(1, G),
    )
    out = _main(x5, n0.reshape(F), n1.reshape(F),
                s0x.reshape(F, 1, FOLD), s1x.reshape(F, 1, FOLD))
    return out.reshape(F, C, H, W)

# --- scband reference (transcript-rebuilt; emitter-appended) ---
"""Pipeline reference for scband-temporal-interlace-35837207117912 (READ-ONLY COPY).

The authoritative reference and input builder live on the scoring server;
editing this copy changes nothing except your own understanding.
"""

import jax, jax.numpy as jnp
import numpy as np
from jax import lax

NUM_SEGMENTS = 8
SHIFT_DIV = 4
DEFORM_GROUPS = 2
IN_CHANNELS = 512
N = 64
H = 28
W = 28
NUM_FOLDS = IN_CHANNELS // SHIFT_DIV


def setup_inputs(seed: int = 0):
    key = jax.random.key(seed)
    ks = jax.random.split(key, 8)
    x = jax.random.normal(ks[0], (N, IN_CHANNELS, H, W), dtype=jnp.float32)
    off_conv_w = jax.random.normal(ks[1], (3, NUM_FOLDS, 1), dtype=jnp.float32) * 0.05
    off_conv_b = jnp.zeros((1,), dtype=jnp.float32)
    off_fc1_w = jax.random.normal(ks[2], (NUM_SEGMENTS, NUM_SEGMENTS), dtype=jnp.float32) * 0.3
    off_fc1_b = jnp.zeros((NUM_SEGMENTS,), dtype=jnp.float32)
    off_fc2_w = jax.random.normal(ks[3], (NUM_SEGMENTS, DEFORM_GROUPS), dtype=jnp.float32) * 0.3
    off_fc2_b = jnp.full((DEFORM_GROUPS,), 0.5108, dtype=jnp.float32)
    w_conv_w = jax.random.normal(ks[4], (3, NUM_FOLDS, DEFORM_GROUPS), dtype=jnp.float32) * 0.05
    w_conv_b = jnp.zeros((DEFORM_GROUPS,), dtype=jnp.float32)
    return {"x": x, "off_conv_w": off_conv_w, "off_conv_b": off_conv_b,
            "off_fc1_w": off_fc1_w, "off_fc1_b": off_fc1_b,
            "off_fc2_w": off_fc2_w, "off_fc2_b": off_fc2_b,
            "w_conv_w": w_conv_w, "w_conv_b": w_conv_b}


def _conv1d_same(x_nwc, w_wio, b):
    y = lax.conv_general_dilated(x_nwc, w_wio, window_strides=(1,), padding='SAME',
                                 dimension_numbers=('NWC', 'WIO', 'NWC'))
    return y + b


def _forward(x, off_conv_w, off_conv_b, off_fc1_w, off_fc1_b, off_fc2_w, off_fc2_b, w_conv_w, w_conv_b):
    n, c, h, w = x.shape
    nb = n // NUM_SEGMENTS
    num_folds = c // SHIFT_DIV
    x_descriptor = x[:, :num_folds, :, :].reshape(nb, NUM_SEGMENTS, num_folds, h, w)
    x_pooled = jnp.mean(x_descriptor, axis=(3, 4))              # [nb, seg, folds]
    x_pooled = jnp.transpose(x_pooled, (0, 2, 1))               # [nb, folds, seg]

    # OffsetNet
    t0 = jnp.transpose(x_pooled, (0, 2, 1))                     # [nb, seg, folds]
    t0 = _conv1d_same(t0, off_conv_w, off_conv_b)               # [nb, seg, 1]
    t0 = t0[:, :, 0]                                            # [nb, seg]
    t0 = jax.nn.relu(t0 @ off_fc1_w + off_fc1_b)                # [nb, seg]
    t0 = t0 @ off_fc2_w + off_fc2_b                             # [nb, groups]
    x_offset = 4.0 * (jax.nn.sigmoid(t0) - 0.5)                 # [nb, groups]

    # WeightNet
    u0 = jnp.transpose(x_pooled, (0, 2, 1))                     # [nb, seg, folds]
    u0 = _conv1d_same(u0, w_conv_w, w_conv_b)                   # [nb, seg, groups]
    x_weight = 2.0 * jax.nn.sigmoid(u0)                         # [nb, seg, groups]

    x_offset = jnp.tile(x_offset, (1, NUM_SEGMENTS // DEFORM_GROUPS))  # [nb, seg]

    # linear_sampler (differentiable temporal frame sampling)
    data = x_descriptor.reshape(nb, NUM_SEGMENTS, num_folds, h * w)
    off0f = jnp.floor(x_offset)
    off0 = jnp.clip(off0f.astype(jnp.int32), 0, NUM_SEGMENTS - 1)
    off1 = jnp.clip(off0f.astype(jnp.int32) + 1, 0, NUM_SEGMENTS - 1)
    data0 = jnp.take_along_axis(data, off0[:, :, None, None], axis=1)
    data1 = jnp.take_along_axis(data, off1[:, :, None, None], axis=1)
    w0 = (1.0 - (x_offset - off0f))[:, :, None, None]
    w1 = 1.0 - w0
    out = w0 * data0 + w1 * data1
    x_shift = out.reshape(nb, NUM_SEGMENTS, num_folds, h, w)

    # per-group temporal weighting (mmaction TIN semantics)
    x_shift = x_shift.reshape(nb, NUM_SEGMENTS, DEFORM_GROUPS, num_folds // DEFORM_GROUPS, h, w)
    xw = x_weight[:, :, :, None, None, None]
    x_shift = (x_shift * xw).reshape(n, num_folds, h, w)

    return jnp.concatenate([x_shift, x[:, num_folds:, :, :]], axis=1)


def reference(x, off_conv_w, off_conv_b, off_fc1_w, off_fc1_b, off_fc2_w, off_fc2_b, w_conv_w, w_conv_b):
    return _forward(x, off_conv_w, off_conv_b, off_fc1_w, off_fc1_b, off_fc2_w, off_fc2_b, w_conv_w, w_conv_b)

if __name__ == "__main__":
    import jax
    _d = setup_inputs()
    print(jax.jit(kernel)(*tuple(_d.values())))

</pallas_src>

<mosaic_0001>
module attributes {stable_mosaic.version = 14 : i64} {
  func.func @_pool_body(%arg0: i32, %arg1: memref<1x1x128x28x28xf32, #tpu.memory_space<vmem>>, %arg2: memref<1x1x128xf32, #tpu.memory_space<vmem>>) attributes {dimension_semantics = [#tpu.dimension_semantics<arbitrary>], iteration_bounds = array<i64: 64>, scalar_prefetch = 0 : i64, scratch_operands = 0 : i64, tpu.core_type = #tpu.core_type<tc>, window_params = [{transform_indices = @transform_0, window_bounds = array<i64: 1, 1, 128, 28, 28>}, {transform_indices = @transform_1, window_bounds = array<i64: 1, 1, 128>}]} {
    %get3A = arith.constant 0 : index
    %get3A_0 = arith.constant 0 : index
    %get3A_1 = arith.constant 0 : index
    %get3A_2 = arith.constant 0 : index
    %get3A_3 = arith.constant 0 : index
    %get3A_4 = vector.load %arg1[%get3A, %get3A_0, %get3A_1, %get3A_2, %get3A_3] : memref<1x1x128x28x28xf32, #tpu.memory_space<vmem>>, vector<1x1x128x28x28xf32>
    %get3A_5 = vector.shape_cast %get3A_4 : vector<1x1x128x28x28xf32> to vector<128x28x28xf32>
    %reduce_sum3A = arith.constant dense<0.000000e+00> : vector<128xf32>
    %reduce_sum3A_6 = vector.multi_reduction <add>, %get3A_5, %reduce_sum3A [1, 2] : vector<128x28x28xf32> to vector<128xf32>
    %mul3A = arith.constant 0.00127551018 : f32
    %mul3A_7 = vector.broadcast %mul3A : f32 to vector<128xf32>
    %mul3A_8 = arith.mulf %reduce_sum3A_6, %mul3A_7 : vector<128xf32>
    %swap3A = arith.constant 0 : index
    %swap3A_9 = arith.constant 0 : index
    %swap3A_10 = arith.constant 0 : index
    %swap3A_11 = vector.load %arg2[%swap3A, %swap3A_9, %swap3A_10] : memref<1x1x128xf32, #tpu.memory_space<vmem>>, vector<1x1x128xf32>
    %swap3A_12 = vector.shape_cast %swap3A_11 : vector<1x1x128xf32> to vector<128xf32>
    %swap3A_13 = vector.shape_cast %mul3A_8 : vector<128xf32> to vector<1x1x128xf32>
    tpu.vector_store %arg2[%swap3A, %swap3A_9, %swap3A_10], %swap3A_13 {strides = array<i32>} : memref<1x1x128xf32, #tpu.memory_space<vmem>>, vector<1x1x128xf32>,
    return
  }
  func.func @transform_0(%arg0: i32) -> (i32, i32, i32, i32, i32) {
    %c0_i32 = arith.constant 0 : i32
    %c0_i32_0 = arith.constant 0 : i32
    %c0_i32_1 = arith.constant 0 : i32
    %c0_i32_2 = arith.constant 0 : i32
    %c0_i32_3 = arith.constant 0 : i32
    return %arg0, %c0_i32, %c0_i32_0, %c0_i32_1, %c0_i32_2 : i32, i32, i32, i32, i32
  }
  func.func @transform_1(%arg0: i32) -> (i32, i32, i32) {
    %c0_i32 = arith.constant 0 : i32
    %c0_i32_0 = arith.constant 0 : i32
    %c0_i32_1 = arith.constant 0 : i32
    return %arg0, %c0_i32, %c0_i32_0 : i32, i32, i32
  }
}

module attributes {stable_mosaic.version = 14 : i64} {
  func.func @_nets_body(%arg0: memref<8x8x128xf32, #tpu.memory_space<vmem>>, %arg1: memref<3x128xf32, #tpu.memory_space<vmem>>, %arg2: memref<1x1xf32, #tpu.memory_space<vmem>>, %arg3: memref<8x8xf32, #tpu.memory_space<vmem>>, %arg4: memref<1x8xf32, #tpu.memory_space<vmem>>, %arg5: memref<8x2xf32, #tpu.memory_space<vmem>>, %arg6: memref<1x2xf32, #tpu.memory_space<vmem>>, %arg7: memref<3x128x2xf32, #tpu.memory_space<vmem>>, %arg8: memref<1x2xf32, #tpu.memory_space<vmem>>, %arg9: memref<8x8xi32, #tpu.memory_space<vmem>>, %arg10: memref<8x8xi32, #tpu.memory_space<vmem>>, %arg11: memref<8x8x128xf32, #tpu.memory_space<vmem>>, %arg12: memref<8x8x128xf32, #tpu.memory_space<vmem>>) attributes {dimension_semantics = [], scalar_prefetch = 0 : i64, scratch_operands = 0 : i64, tpu.core_type = #tpu.core_type<tc>} {
    %get3A = arith.constant 0 : index
    %get3A_0 = arith.constant 0 : index
    %get3A_1 = arith.constant 0 : index
    %get3A_2 = vector.load %arg0[%get3A, %get3A_0, %get3A_1] : memref<8x8x128xf32, #tpu.memory_space<vmem>>, vector<8x8x128xf32>
    %broadcast_in_dim3A = arith.constant 0.000000e+00 : f32
    %broadcast_in_dim3A_3 = vector.broadcast %broadcast_in_dim3A : f32 to vector<8x1x128xf32>
    %slice3A = vector.extract_strided_slice %get3A_2 {offsets = [0, 0, 0], sizes = [8, 7, 128], strides = [1, 1, 1]} : vector<8x8x128xf32> to vector<8x7x128xf32>
    %concatenate3A = tpu.concatenate %broadcast_in_dim3A_3, %slice3A in 1 : vector<8x1x128xf32>, vector<8x7x128xf32> -> vector<8x8x128xf32>
    %slice3A_4 = vector.extract_strided_slice %get3A_2 {offsets = [0, 1, 0], sizes = [8, 7, 128], strides = [1, 1, 1]} : vector<8x8x128xf32> to vector<8x7x128xf32>
    %concatenate3A_5 = tpu.concatenate %slice3A_4, %broadcast_in_dim3A_3 in 1 : vector<8x7x128xf32>, vector<8x1x128xf32> -> vector<8x8x128xf32>
    %get3A_6 = arith.constant 0 : index
    %get3A_7 = arith.constant 0 : index
    %get3A_8 = vector.load %arg1[%get3A_6, %get3A_7] : memref<3x128xf32, #tpu.memory_space<vmem>>, vector<3x128xf32>
    %slice3A_9 = vector.extract_strided_slice %get3A_8 {offsets = [0, 0], sizes = [1, 128], strides = [1, 1]} : vector<3x128xf32> to vector<1x128xf32>
    %squeeze3A = vector.shape_cast %slice3A_9 : vector<1x128xf32> to vector<128xf32>
    %broadcast_in_dim3A_10 = vector.shape_cast %squeeze3A : vector<128xf32> to vector<1x1x128xf32>
    %mul3A = vector.broadcast %broadcast_in_dim3A_10 : vector<1x1x128xf32> to vector<8x8x128xf32>
    %mul3A_11 = arith.mulf %concatenate3A, %mul3A : vector<8x8x128xf32>
    %reduce_sum3A = arith.constant dense<0.000000e+00> : vector<8x8xf32>
    %reduce_sum3A_12 = vector.multi_reduction <add>, %mul3A_11, %reduce_sum3A [2] : vector<8x8x128xf32> to vector<8x8xf32>
    %slice3A_13 = vector.extract_strided_slice %get3A_8 {offsets = [1, 0], sizes = [1, 128], strides = [1, 1]} : vector<3x128xf32> to vector<1x128xf32>
    %squeeze3A_14 = vector.shape_cast %slice3A_13 : vector<1x128xf32> to vector<128xf32>
    %broadcast_in_dim3A_15 = vector.shape_cast %squeeze3A_14 : vector<128xf32> to vector<1x1x128xf32>
    %mul3A_16 = vector.broadcast %broadcast_in_dim3A_15 : vector<1x1x128xf32> to vector<8x8x128xf32>
    %mul3A_17 = arith.mulf %get3A_2, %mul3A_16 : vector<8x8x128xf32>
    %reduce_sum3A_18 = arith.constant dense<0.000000e+00> : vector<8x8xf32>
    %reduce_sum3A_19 = vector.multi_reduction <add>, %mul3A_17, %reduce_sum3A_18 [2] : vector<8x8x128xf32> to vector<8x8xf32>
    %add3A = arith.addf %reduce_sum3A_12, %reduce_sum3A_19 : vector<8x8xf32>
    %slice3A_20 = vector.extract_strided_slice %get3A_8 {offsets = [2, 0], sizes = [1, 128], strides = [1, 1]} : vector<3x128xf32> to vector<1x128xf32>
    %squeeze3A_21 = vector.shape_cast %slice3A_20 : vector<1x128xf32> to vector<128xf32>
    %broadcast_in_dim3A_22 = vector.shape_cast %squeeze3A_21 : vector<128xf32> to vector<1x1x128xf32>
    %mul3A_23 = vector.broadcast %broadcast_in_dim3A_22 : vector<1x1x128xf32> to vector<8x8x128xf32>
    %mul3A_24 = arith.mulf %concatenate3A_5, %mul3A_23 : vector<8x8x128xf32>
    %reduce_sum3A_25 = arith.constant dense<0.000000e+00> : vector<8x8xf32>
    %reduce_sum3A_26 = vector.multi_reduction <add>, %mul3A_24, %reduce_sum3A_25 [2] : vector<8x8x128xf32> to vector<8x8xf32>
    %add3A_27 = arith.addf %add3A, %reduce_sum3A_26 : vector<8x8xf32>
    %get3A_28 = arith.constant 0 : index
    %get3A_29 = arith.constant 0 : index
    %get3A_30 = vector.load %arg2[%get3A_28, %get3A_29] : memref<1x1xf32, #tpu.memory_space<vmem>>, vector<1x1xf32>
    %get3A_31 = vector.extract %get3A_30[0, 0] : f32 from vector<1x1xf32>
    %add3A_32 = vector.broadcast %get3A_31 : f32 to vector<8x8xf32>
    %add3A_33 = arith.addf %add3A_27, %add3A_32 : vector<8x8xf32>
    %get3A_34 = arith.constant 0 : index
    %get3A_35 = arith.constant 0 : index
    %get3A_36 = vector.load %arg3[%get3A_34, %get3A_35] : memref<8x8xf32, #tpu.memory_space<vmem>>, vector<8x8xf32>
    %dot_general3A = arith.constant dense<0.000000e+00> : vector<8x8xf32>
    %dot_general3A_37 = tpu.matmul %add3A_33, %get3A_36, %dot_general3A {dimension_numbers = #tpu.dot_dimension_numbers<[1], [0], [0], [1], [0, 0, 1, 1], [], []>, transpose_lhs_hint = false} : vector<8x8xf32>, vector<8x8xf32>, vector<8x8xf32> -> vector<8x8xf32>
    %get3A_38 = arith.constant 0 : index
    %get3A_39 = arith.constant 0 : index
    %get3A_40 = vector.load %arg4[%get3A_38, %get3A_39] : memref<1x8xf32, #tpu.memory_space<vmem>>, vector<1x8xf32>
    %get3A_41 = vector.shape_cast %get3A_40 : vector<1x8xf32> to vector<8xf32>
    %broadcast_in_dim3A_42 = vector.shape_cast %get3A_41 : vector<8xf32> to vector<1x8xf32>
    %add3A_43 = vector.broadcast %broadcast_in_dim3A_42 : vector<1x8xf32> to vector<8x8xf32>
    %add3A_44 = arith.addf %dot_general3A_37, %add3A_43 : vector<8x8xf32>
    %max3A = arith.constant 0.000000e+00 : f32
    %max3A_45 = vector.broadcast %max3A : f32 to vector<8x8xf32>
    %max3A_46 = arith.maximumf %add3A_44, %max3A_45 : vector<8x8xf32>
    %get3A_47 = arith.constant 0 : index
    %get3A_48 = arith.constant 0 : index
    %get3A_49 = vector.load %arg5[%get3A_47, %get3A_48] : memref<8x2xf32, #tpu.memory_space<vmem>>, vector<8x2xf32>
    %dot_general3A_50 = arith.constant dense<0.000000e+00> : vector<8x2xf32>
    %dot_general3A_51 = tpu.matmul %max3A_46, %get3A_49, %dot_general3A_50 {dimension_numbers = #tpu.dot_dimension_numbers<[1], [0], [0], [1], [0, 0, 1, 1], [], []>, transpose_lhs_hint = false} : vector<8x8xf32>, vector<8x2xf32>, vector<8x2xf32> -> vector<8x2xf32>
    %get3A_52 = arith.constant 0 : index
    %get3A_53 = arith.constant 0 : index
    %get3A_54 = vector.load %arg6[%get3A_52, %get3A_53] : memref<1x2xf32, #tpu.memory_space<vmem>>, vector<1x2xf32>
    %get3A_55 = vector.shape_cast %get3A_54 : vector<1x2xf32> to vector<2xf32>
    %broadcast_in_dim3A_56 = vector.shape_cast %get3A_55 : vector<2xf32> to vector<1x2xf32>
    %add3A_57 = vector.broadcast %broadcast_in_dim3A_56 : vector<1x2xf32> to vector<8x2xf32>
    %add3A_58 = arith.addf %dot_general3A_51, %add3A_57 : vector<8x2xf32>
    %neg3A = arith.constant 0.000000e+00 : f32
    %neg3A_59 = vector.broadcast %neg3A : f32 to vector<8x2xf32>
    %neg3A_60 = arith.subf %neg3A_59, %add3A_58 : vector<8x2xf32>
    %exp3A = math.exp %neg3A_60 : vector<8x2xf32>
    %add3A_61 = arith.constant 1.000000e+00 : f32
    %add3A_62 = vector.broadcast %add3A_61 : f32 to vector<8x2xf32>
    %add3A_63 = arith.addf %add3A_62, %exp3A : vector<8x2xf32>
    %div3A = arith.constant 1.000000e+00 : f32
    %div3A_64 = vector.broadcast %div3A : f32 to vector<8x2xf32>
    %div3A_65 = arith.divf %div3A_64, %add3A_63 : vector<8x2xf32>
    %sub3A = arith.constant 5.000000e-01 : f32
    %sub3A_66 = vector.broadcast %sub3A : f32 to vector<8x2xf32>
    %sub3A_67 = arith.subf %div3A_65, %sub3A_66 : vector<8x2xf32>
    %mul3A_68 = arith.constant 4.000000e+00 : f32
    %mul3A_69 = vector.broadcast %mul3A_68 : f32 to vector<8x2xf32>
    %mul3A_70 = arith.mulf %mul3A_69, %sub3A_67 : vector<8x2xf32>
    %tile3A = tpu.concatenate %mul3A_70, %mul3A_70, %mul3A_70, %mul3A_70 in 1 : vector<8x2xf32>, vector<8x2xf32>, vector<8x2xf32>, vector<8x2xf32> -> vector<8x8xf32>
    %floor3A = math.floor %tile3A : vector<8x8xf32>
    %convert_element_type3A = arith.fptosi %floor3A : vector<8x8xf32> to vector<8x8xi32>
    %jit3A = arith.constant 0 : i32
    %jit3A_71 = arith.constant 7 : i32
    %max3A_72 = vector.broadcast %jit3A : i32 to vector<8x8xi32>
    %max3A_73 = arith.maxsi %max3A_72, %convert_element_type3A : vector<8x8xi32>
    %min3A = vector.broadcast %jit3A_71 : i32 to vector<8x8xi32>
    %min3A_74 = arith.minsi %min3A, %max3A_73 : vector<8x8xi32>
    %convert_element_type3A_75 = arith.fptosi %floor3A : vector<8x8xf32> to vector<8x8xi32>
    %add3A_76 = arith.constant 1 : i32
    %add3A_77 = vector.broadcast %add3A_76 : i32 to vector<8x8xi32>
    %add3A_78 = arith.addi %convert_element_type3A_75, %add3A_77 : vector<8x8xi32>
    %jit3A_79 = arith.constant 0 : i32
    %jit3A_80 = arith.constant 7 : i32
    %max3A_81 = vector.broadcast %jit3A_79 : i32 to vector<8x8xi32>
    %max3A_82 = arith.maxsi %max3A_81, %add3A_78 : vector<8x8xi32>
    %min3A_83 = vector.broadcast %jit3A_80 : i32 to vector<8x8xi32>
    %min3A_84 = arith.minsi %min3A_83, %max3A_82 : vector<8x8xi32>
    %sub3A_85 = arith.subf %tile3A, %floor3A : vector<8x8xf32>
    %sub3A_86 = arith.constant 1.000000e+00 : f32
    %sub3A_87 = vector.broadcast %sub3A_86 : f32 to vector<8x8xf32>
    %sub3A_88 = arith.subf %sub3A_87, %sub3A_85 : vector<8x8xf32>
    %get3A_89 = arith.constant 0 : index
    %get3A_90 = arith.constant 0 : index
    %get3A_91 = arith.constant 0 : index
    %get3A_92 = vector.load %arg7[%get3A_89, %get3A_90, %get3A_91] : memref<3x128x2xf32, #tpu.memory_space<vmem>>, vector<3x128x2xf32>
    %slice3A_93 = vector.extract_strided_slice %get3A_92 {offsets = [0, 0, 0], sizes = [1, 128, 1], strides = [1, 1, 1]} : vector<3x128x2xf32> to vector<1x128x1xf32>
    %squeeze3A_94 = vector.shape_cast %slice3A_93 : vector<1x128x1xf32> to vector<128xf32>
    %broadcast_in_dim3A_95 = vector.shape_cast %squeeze3A_94 : vector<128xf32> to vector<1x1x128xf32>
    %mul3A_96 = vector.broadcast %broadcast_in_dim3A_95 : vector<1x1x128xf32> to vector<8x8x128xf32>
    %mul3A_97 = arith.mulf %concatenate3A, %mul3A_96 : vector<8x8x128xf32>
    %reduce_sum3A_98 = arith.constant dense<0.000000e+00> : vector<8x8xf32>
    %reduce_sum3A_99 = vector.multi_reduction <add>, %mul3A_97, %reduce_sum3A_98 [2] : vector<8x8x128xf32> to vector<8x8xf32>
    %slice3A_100 = vector.extract_strided_slice %get3A_92 {offsets = [1, 0, 0], sizes = [1, 128, 1], strides = [1, 1, 1]} : vector<3x128x2xf32> to vector<1x128x1xf32>
    %squeeze3A_101 = vector.shape_cast %slice3A_100 : vector<1x128x1xf32> to vector<128xf32>
    %broadcast_in_dim3A_102 = vector.shape_cast %squeeze3A_101 : vector<128xf32> to vector<1x1x128xf32>
    %mul3A_103 = vector.broadcast %broadcast_in_dim3A_102 : vector<1x1x128xf32> to vector<8x8x128xf32>
    %mul3A_104 = arith.mulf %get3A_2, %mul3A_103 : vector<8x8x128xf32>
    %reduce_sum3A_105 = arith.constant dense<0.000000e+00> : vector<8x8xf32>
    %reduce_sum3A_106 = vector.multi_reduction <add>, %mul3A_104, %reduce_sum3A_105 [2] : vector<8x8x128xf32> to vector<8x8xf32>
    %add3A_107 = arith.addf %reduce_sum3A_99, %reduce_sum3A_106 : vector<8x8xf32>
    %slice3A_108 = vector.extract_strided_slice %get3A_92 {offsets = [2, 0, 0], sizes = [1, 128, 1], strides = [1, 1, 1]} : vector<3x128x2xf32> to vector<1x128x1xf32>
    %squeeze3A_109 = vector.shape_cast %slice3A_108 : vector<1x128x1xf32> to vector<128xf32>
    %broadcast_in_dim3A_110 = vector.shape_cast %squeeze3A_109 : vector<128xf32> to vector<1x1x128xf32>
    %mul3A_111 = vector.broadcast %broadcast_in_dim3A_110 : vector<1x1x128xf32> to vector<8x8x128xf32>
    %mul3A_112 = arith.mulf %concatenate3A_5, %mul3A_111 : vector<8x8x128xf32>
    %reduce_sum3A_113 = arith.constant dense<0.000000e+00> : vector<8x8xf32>
    %reduce_sum3A_114 = vector.multi_reduction <add>, %mul3A_112, %reduce_sum3A_113 [2] : vector<8x8x128xf32> to vector<8x8xf32>
    %add3A_115 = arith.addf %add3A_107, %reduce_sum3A_114 : vector<8x8xf32>
    %get3A_116 = arith.constant 0 : index
    %get3A_117 = arith.constant 0 : index
    %get3A_118 = vector.load %arg8[%get3A_116, %get3A_117] : memref<1x2xf32, #tpu.memory_space<vmem>>, vector<1x1xf32>
    %get3A_119 = vector.extract %get3A_118[0, 0] : f32 from vector<1x1xf32>
    %add3A_120 = vector.broadcast %get3A_119 : f32 to vector<8x8xf32>
    %add3A_121 = arith.addf %add3A_115, %add3A_120 : vector<8x8xf32>
    %neg3A_122 = arith.constant 0.000000e+00 : f32
    %neg3A_123 = vector.broadcast %neg3A_122 : f32 to vector<8x8xf32>
    %neg3A_124 = arith.subf %neg3A_123, %add3A_121 : vector<8x8xf32>
    %exp3A_125 = math.exp %neg3A_124 : vector<8x8xf32>
    %add3A_126 = arith.constant 1.000000e+00 : f32
    %add3A_127 = vector.broadcast %add3A_126 : f32 to vector<8x8xf32>
    %add3A_128 = arith.addf %add3A_127, %exp3A_125 : vector<8x8xf32>
    %div3A_129 = arith.constant 1.000000e+00 : f32
    %div3A_130 = vector.broadcast %div3A_129 : f32 to vector<8x8xf32>
    %div3A_131 = arith.divf %div3A_130, %add3A_128 : vector<8x8xf32>
    %mul3A_132 = arith.constant 2.000000e+00 : f32
    %mul3A_133 = vector.broadcast %mul3A_132 : f32 to vector<8x8xf32>
    %mul3A_134 = arith.mulf %mul3A_133, %div3A_131 : vector<8x8xf32>
    %slice3A_135 = vector.extract_strided_slice %get3A_92 {offsets = [0, 0, 1], sizes = [1, 128, 1], strides = [1, 1, 1]} : vector<3x128x2xf32> to vector<1x128x1xf32>
    %squeeze3A_136 = vector.shape_cast %slice3A_135 : vector<1x128x1xf32> to vector<128xf32>
    %broadcast_in_dim3A_137 = vector.shape_cast %squeeze3A_136 : vector<128xf32> to vector<1x1x128xf32>
    %mul3A_138 = vector.broadcast %broadcast_in_dim3A_137 : vector<1x1x128xf32> to vector<8x8x128xf32>
    %mul3A_139 = arith.mulf %concatenate3A, %mul3A_138 : vector<8x8x128xf32>
    %reduce_sum3A_140 = arith.constant dense<0.000000e+00> : vector<8x8xf32>
    %reduce_sum3A_141 = vector.multi_reduction <add>, %mul3A_139, %reduce_sum3A_140 [2] : vector<8x8x128xf32> to vector<8x8xf32>
    %slice3A_142 = vector.extract_strided_slice %get3A_92 {offsets = [1, 0, 1], sizes = [1, 128, 1], strides = [1, 1, 1]} : vector<3x128x2xf32> to vector<1x128x1xf32>
    %squeeze3A_143 = vector.shape_cast %slice3A_142 : vector<1x128x1xf32> to vector<128xf32>
    %broadcast_in_dim3A_144 = vector.shape_cast %squeeze3A_143 : vector<128xf32> to vector<1x1x128xf32>
    %mul3A_145 = vector.broadcast %broadcast_in_dim3A_144 : vector<1x1x128xf32> to vector<8x8x128xf32>
    %mul3A_146 = arith.mulf %get3A_2, %mul3A_145 : vector<8x8x128xf32>
    %reduce_sum3A_147 = arith.constant dense<0.000000e+00> : vector<8x8xf32>
    %reduce_sum3A_148 = vector.multi_reduction <add>, %mul3A_146, %reduce_sum3A_147 [2] : vector<8x8x128xf32> to vector<8x8xf32>
    %add3A_149 = arith.addf %reduce_sum3A_141, %reduce_sum3A_148 : vector<8x8xf32>
    %slice3A_150 = vector.extract_strided_slice %get3A_92 {offsets = [2, 0, 1], sizes = [1, 128, 1], strides = [1, 1, 1]} : vector<3x128x2xf32> to vector<1x128x1xf32>
    %squeeze3A_151 = vector.shape_cast %slice3A_150 : vector<1x128x1xf32> to vector<128xf32>
    %broadcast_in_dim3A_152 = vector.shape_cast %squeeze3A_151 : vector<128xf32> to vector<1x1x128xf32>
    %mul3A_153 = vector.broadcast %broadcast_in_dim3A_152 : vector<1x1x128xf32> to vector<8x8x128xf32>
    %mul3A_154 = arith.mulf %concatenate3A_5, %mul3A_153 : vector<8x8x128xf32>
    %reduce_sum3A_155 = arith.constant dense<0.000000e+00> : vector<8x8xf32>
    %reduce_sum3A_156 = vector.multi_reduction <add>, %mul3A_154, %reduce_sum3A_155 [2] : vector<8x8x128xf32> to vector<8x8xf32>
    %add3A_157 = arith.addf %add3A_149, %reduce_sum3A_156 : vector<8x8xf32>
    %get3A_158 = arith.constant 0 : index
    %get3A_159 = arith.constant 1 : index
    %get3A_160 = vector.load %arg8[%get3A_158, %get3A_159] : memref<1x2xf32, #tpu.memory_space<vmem>>, vector<1x1xf32>
    %get3A_161 = vector.extract %get3A_160[0, 0] : f32 from vector<1x1xf32>
    %add3A_162 = vector.broadcast %get3A_161 : f32 to vector<8x8xf32>
    %add3A_163 = arith.addf %add3A_157, %add3A_162 : vector<8x8xf32>
    %neg3A_164 = arith.constant 0.000000e+00 : f32
    %neg3A_165 = vector.broadcast %neg3A_164 : f32 to vector<8x8xf32>
    %neg3A_166 = arith.subf %neg3A_165, %add3A_163 : vector<8x8xf32>
    %exp3A_167 = math.exp %neg3A_166 : vector<8x8xf32>
    %add3A_168 = arith.constant 1.000000e+00 : f32
    %add3A_169 = vector.broadcast %add3A_168 : f32 to vector<8x8xf32>
    %add3A_170 = arith.addf %add3A_169, %exp3A_167 : vector<8x8xf32>
    %div3A_171 = arith.constant 1.000000e+00 : f32
    %div3A_172 = vector.broadcast %div3A_171 : f32 to vector<8x8xf32>
    %div3A_173 = arith.divf %div3A_172, %add3A_170 : vector<8x8xf32>
    %mul3A_174 = arith.constant 2.000000e+00 : f32
    %mul3A_175 = vector.broadcast %mul3A_174 : f32 to vector<8x8xf32>
    %mul3A_176 = arith.mulf %mul3A_175, %div3A_173 : vector<8x8xf32>
    %iota3A = tpu.iota {dimensions = array<i32: 0>} : vector<8x8xi32>
    %mul3A_177 = arith.constant 8 : i32
    %mul3A_178 = vector.broadcast %mul3A_177 : i32 to vector<8x8xi32>
    %mul3A_179 = arith.muli %iota3A, %mul3A_178 : vector<8x8xi32>
    %add3A_180 = arith.addi %mul3A_179, %min3A_74 : vector<8x8xi32>
    %swap3A = arith.constant 0 : index
    %swap3A_181 = arith.constant 0 : index
    %swap3A_182 = vector.load %arg9[%swap3A, %swap3A_181] : memref<8x8xi32, #tpu.memory_space<vmem>>, vector<8x8xi32>
    tpu.vector_store %arg9[%swap3A, %swap3A_181], %add3A_180 {strides = array<i32>} : memref<8x8xi32, #tpu.memory_space<vmem>>, vector<8x8xi32>,
    %mul3A_183 = arith.constant 8 : i32
    %mul3A_184 = vector.broadcast %mul3A_183 : i32 to vector<8x8xi32>
    %mul3A_185 = arith.muli %iota3A, %mul3A_184 : vector<8x8xi32>
    %add3A_186 = arith.addi %mul3A_185, %min3A_84 : vector<8x8xi32>
    %swap3A_187 = arith.constant 0 : index
    %swap3A_188 = arith.constant 0 : index
    %swap3A_189 = vector.load %arg10[%swap3A_187, %swap3A_188] : memref<8x8xi32, #tpu.memory_space<vmem>>, vector<8x8xi32>
    tpu.vector_store %arg10[%swap3A_187, %swap3A_188], %add3A_186 {strides = array<i32>} : memref<8x8xi32, #tpu.memory_space<vmem>>, vector<8x8xi32>,
    %broadcast_in_dim3A_190 = vector.shape_cast %mul3A_134 : vector<8x8xf32> to vector<8x8x1xf32>
    %broadcast_in_dim3A_191 = vector.shape_cast %broadcast_in_dim3A_190 : vector<8x8x1xf32> to vector<8x8x1xf32>
    %broadcast_in_dim3A_192 = vector.broadcast %broadcast_in_dim3A_191 : vector<8x8x1xf32> to vector<8x8x64xf32>
    %broadcast_in_dim3A_193 = vector.shape_cast %mul3A_176 : vector<8x8xf32> to vector<8x8x1xf32>
    %broadcast_in_dim3A_194 = vector.shape_cast %broadcast_in_dim3A_193 : vector<8x8x1xf32> to vector<8x8x1xf32>
    %broadcast_in_dim3A_195 = vector.broadcast %broadcast_in_dim3A_194 : vector<8x8x1xf32> to vector<8x8x64xf32>
    %concatenate3A_196 = tpu.concatenate %broadcast_in_dim3A_192, %broadcast_in_dim3A_195 in 2 : vector<8x8x64xf32>, vector<8x8x64xf32> -> vector<8x8x128xf32>
    %broadcast_in_dim3A_197 = vector.shape_cast %sub3A_88 : vector<8x8xf32> to vector<8x8x1xf32>
    %mul3A_198 = vector.broadcast %broadcast_in_dim3A_197 : vector<8x8x1xf32> to vector<8x8x128xf32>
    %mul3A_199 = arith.mulf %mul3A_198, %concatenate3A_196 : vector<8x8x128xf32>
    %swap3A_200 = arith.constant 0 : index
    %swap3A_201 = arith.constant 0 : index
    %swap3A_202 = arith.constant 0 : index
    %swap3A_203 = vector.load %arg11[%swap3A_200, %swap3A_201, %swap3A_202] : memref<8x8x128xf32, #tpu.memory_space<vmem>>, vector<8x8x128xf32>
    tpu.vector_store %arg11[%swap3A_200, %swap3A_201, %swap3A_202], %mul3A_199 {strides = array<i32>} : memref<8x8x128xf32, #tpu.memory_space<vmem>>, vector<8x8x128xf32>,
    %broadcast_in_dim3A_204 = vector.shape_cast %sub3A_85 : vector<8x8xf32> to vector<8x8x1xf32>
    %mul3A_205 = vector.broadcast %broadcast_in_dim3A_204 : vector<8x8x1xf32> to vector<8x8x128xf32>
    %mul3A_206 = arith.mulf %mul3A_205, %concatenate3A_196 : vector<8x8x128xf32>
    %swap3A_207 = arith.constant 0 : index
    %swap3A_208 = arith.constant 0 : index
    %swap3A_209 = arith.constant 0 : index
    %swap3A_210 = vector.load %arg12[%swap3A_207, %swap3A_208, %swap3A_209] : memref<8x8x128xf32, #tpu.memory_space<vmem>>, vector<8x8x128xf32>
    tpu.vector_store %arg12[%swap3A_207, %swap3A_208, %swap3A_209], %mul3A_206 {strides = array<i32>} : memref<8x8x128xf32, #tpu.memory_space<vmem>>, vector<8x8x128xf32>,
    return
  }
}

module attributes {stable_mosaic.version = 14 : i64} {
  func.func @_main_body(%arg0: i32, %arg1: i32, %arg2: memref<64xi32, #tpu.memory_space<smem>>, %arg3: memref<64xi32, #tpu.memory_space<smem>>, %arg4: memref<1x1x128x28x28xf32, #tpu.memory_space<vmem>>, %arg5: memref<1x1x128x28x28xf32, #tpu.memory_space<vmem>>, %arg6: memref<1x1x128x28x28xf32, #tpu.memory_space<vmem>>, %arg7: memref<1x1x128xf32, #tpu.memory_space<vmem>>, %arg8: memref<1x1x128xf32, #tpu.memory_space<vmem>>, %arg9: memref<1x1x128x28x28xf32, #tpu.memory_space<vmem>>) attributes {dimension_semantics = [#tpu.dimension_semantics<arbitrary>, #tpu.dimension_semantics<arbitrary>], iteration_bounds = array<i64: 64, 4>, scalar_prefetch = 2 : i64, scratch_operands = 0 : i64, tpu.core_type = #tpu.core_type<tc>, window_params = [{transform_indices = @transform_0, window_bounds = array<i64: 1, 1, 128, 28, 28>}, {transform_indices = @transform_1, window_bounds = array<i64: 1, 1, 128, 28, 28>}, {transform_indices = @transform_2, window_bounds = array<i64: 1, 1, 128, 28, 28>}, {transform_indices = @transform_3, window_bounds = array<i64: 1, 1, 128>}, {transform_indices = @transform_4, window_bounds = array<i64: 1, 1, 128>}, {transform_indices = @transform_5, window_bounds = array<i64: 1, 1, 128, 28, 28>}]} {
    %eq3A = arith.constant 0 : i32
    %eq3A_0 = arith.cmpi eq, %arg1, %eq3A : i32
    %convert_element_type3A = arith.extui %eq3A_0 : i1 to i32
    %cond3A = arith.constant 0 : i32
    %cond3A_1 = arith.cmpi ne, %convert_element_type3A, %cond3A : i32
    scf.if %cond3A_1 {
      %get3A = arith.constant 0 : index
      %get3A_6 = arith.constant 0 : index
      %get3A_7 = arith.constant 0 : index
      %get3A_8 = vector.load %arg7[%get3A, %get3A_6, %get3A_7] : memref<1x1x128xf32, #tpu.memory_space<vmem>>, vector<1x1x128xf32>
      %get3A_9 = vector.shape_cast %get3A_8 : vector<1x1x128xf32> to vector<128xf32>
      %get3A_10 = arith.constant 0 : index
      %get3A_11 = arith.constant 0 : index
      %get3A_12 = arith.constant 0 : index
      %get3A_13 = vector.load %arg8[%get3A_10, %get3A_11, %get3A_12] : memref<1x1x128xf32, #tpu.memory_space<vmem>>, vector<1x1x128xf32>
      %get3A_14 = vector.shape_cast %get3A_13 : vector<1x1x128xf32> to vector<128xf32>
      %broadcast_in_dim3A = vector.shape_cast %get3A_9 : vector<128xf32> to vector<128x1x1xf32>
      %get3A_15 = arith.constant 0 : index
      %get3A_16 = arith.constant 0 : index
      %get3A_17 = arith.constant 0 : index
      %get3A_18 = arith.constant 0 : index
      %get3A_19 = arith.constant 0 : index
      %get3A_20 = vector.load %arg4[%get3A_15, %get3A_16, %get3A_17, %get3A_18, %get3A_19] : memref<1x1x128x28x28xf32, #tpu.memory_space<vmem>>, vector<1x1x128x28x28xf32>
      %get3A_21 = vector.shape_cast %get3A_20 : vector<1x1x128x28x28xf32> to vector<128x28x28xf32>
      %mul3A = vector.broadcast %broadcast_in_dim3A : vector<128x1x1xf32> to vector<128x28x28xf32>
      %mul3A_22 = arith.mulf %mul3A, %get3A_21 : vector<128x28x28xf32>
      %broadcast_in_dim3A_23 = vector.shape_cast %get3A_14 : vector<128xf32> to vector<128x1x1xf32>
      %get3A_24 = arith.constant 0 : index
      %get3A_25 = arith.constant 0 : index
      %get3A_26 = arith.constant 0 : index
      %get3A_27 = arith.constant 0 : index
      %get3A_28 = arith.constant 0 : index
      %get3A_29 = vector.load %arg5[%get3A_24, %get3A_25, %get3A_26, %get3A_27, %get3A_28] : memref<1x1x128x28x28xf32, #tpu.memory_space<vmem>>, vector<1x1x128x28x28xf32>
      %get3A_30 = vector.shape_cast %get3A_29 : vector<1x1x128x28x28xf32> to vector<128x28x28xf32>
      %mul3A_31 = vector.broadcast %broadcast_in_dim3A_23 : vector<128x1x1xf32> to vector<128x28x28xf32>
      %mul3A_32 = arith.mulf %mul3A_31, %get3A_30 : vector<128x28x28xf32>
      %add3A = arith.addf %mul3A_22, %mul3A_32 : vector<128x28x28xf32>
      %swap3A = arith.constant 0 : index
      %swap3A_33 = arith.constant 0 : index
      %swap3A_34 = arith.constant 0 : index
      %swap3A_35 = arith.constant 0 : index
      %swap3A_36 = arith.constant 0 : index
      %swap3A_37 = vector.load %arg9[%swap3A, %swap3A_33, %swap3A_34, %swap3A_35, %swap3A_36] : memref<1x1x128x28x28xf32, #tpu.memory_space<vmem>>, vector<1x1x128x28x28xf32>
      %swap3A_38 = vector.shape_cast %swap3A_37 : vector<1x1x128x28x28xf32> to vector<128x28x28xf32>
      %swap3A_39 = vector.shape_cast %add3A : vector<128x28x28xf32> to vector<1x1x128x28x28xf32>
      tpu.vector_store %arg9[%swap3A, %swap3A_33, %swap3A_34, %swap3A_35, %swap3A_36], %swap3A_39 {strides = array<i32>} : memref<1x1x128x28x28xf32, #tpu.memory_space<vmem>>, vector<1x1x128x28x28xf32>,
    } else {
    }
    %ne3A = arith.constant 0 : i32
    %ne3A_2 = arith.cmpi ne, %arg1, %ne3A : i32
    %convert_element_type3A_3 = arith.extui %ne3A_2 : i1 to i32
    %cond3A_4 = arith.constant 0 : i32
    %cond3A_5 = arith.cmpi ne, %convert_element_type3A_3, %cond3A_4 : i32
    scf.if %cond3A_5 {
      %get3A = arith.constant 0 : index
      %get3A_6 = arith.constant 0 : index
      %get3A_7 = arith.constant 0 : index
      %get3A_8 = arith.constant 0 : index
      %get3A_9 = arith.constant 0 : index
      %get3A_10 = vector.load %arg6[%get3A, %get3A_6, %get3A_7, %get3A_8, %get3A_9] : memref<1x1x128x28x28xf32, #tpu.memory_space<vmem>>, vector<1x1x128x28x28xf32>
      %get3A_11 = vector.shape_cast %get3A_10 : vector<1x1x128x28x28xf32> to vector<128x28x28xf32>
      %swap3A = arith.constant 0 : index
      %swap3A_12 = arith.constant 0 : index
      %swap3A_13 = arith.constant 0 : index
      %swap3A_14 = arith.constant 0 : index
      %swap3A_15 = arith.constant 0 : index
      %swap3A_16 = vector.load %arg9[%swap3A, %swap3A_12, %swap3A_13, %swap3A_14, %swap3A_15] : memref<1x1x128x28x28xf32, #tpu.memory_space<vmem>>, vector<1x1x128x28x28xf32>
      %swap3A_17 = vector.shape_cast %swap3A_16 : vector<1x1x128x28x28xf32> to vector<128x28x28xf32>
      %swap3A_18 = vector.shape_cast %get3A_11 : vector<128x28x28xf32> to vector<1x1x128x28x28xf32>
      tpu.vector_store %arg9[%swap3A, %swap3A_12, %swap3A_13, %swap3A_14, %swap3A_15], %swap3A_18 {strides = array<i32>} : memref<1x1x128x28x28xf32, #tpu.memory_space<vmem>>, vector<1x1x128x28x28xf32>,
    } else {
    }
    return
  }
  func.func @transform_0(%arg0: i32, %arg1: i32, %arg2: memref<64xi32, #tpu.memory_space<smem>>, %arg3: memref<64xi32, #tpu.memory_space<smem>>) -> (i32, i32, i32, i32, i32) {
    %get3A = arith.index_cast %arg0 : i32 to index
    %get3A_0 = memref.load %arg2[%get3A] : memref<64xi32, #tpu.memory_space<smem>>
    %c0_i32 = arith.constant 0 : i32
    %c0_i32_1 = arith.constant 0 : i32
    %c0_i32_2 = arith.constant 0 : i32
    %c0_i32_3 = arith.constant 0 : i32
    %c0_i32_4 = arith.constant 0 : i32
    return %get3A_0, %c0_i32, %c0_i32_1, %c0_i32_2, %c0_i32_3 : i32, i32, i32, i32, i32
  }
  func.func @transform_1(%arg0: i32, %arg1: i32, %arg2: memref<64xi32, #tpu.memory_space<smem>>, %arg3: memref<64xi32, #tpu.memory_space<smem>>) -> (i32, i32, i32, i32, i32) {
    %get3A = arith.index_cast %arg0 : i32 to index
    %get3A_0 = memref.load %arg3[%get3A] : memref<64xi32, #tpu.memory_space<smem>>
    %c0_i32 = arith.constant 0 : i32
    %c0_i32_1 = arith.constant 0 : i32
    %c0_i32_2 = arith.constant 0 : i32
    %c0_i32_3 = arith.constant 0 : i32
    %c0_i32_4 = arith.constant 0 : i32
    return %get3A_0, %c0_i32, %c0_i32_1, %c0_i32_2, %c0_i32_3 : i32, i32, i32, i32, i32
  }
  func.func @transform_2(%arg0: i32, %arg1: i32, %arg2: memref<64xi32, #tpu.memory_space<smem>>, %arg3: memref<64xi32, #tpu.memory_space<smem>>) -> (i32, i32, i32, i32, i32) {
    %max3A = arith.constant 1 : i32
    %max3A_0 = arith.maxsi %arg1, %max3A : i32
    %c0_i32 = arith.constant 0 : i32
    %c0_i32_1 = arith.constant 0 : i32
    %c0_i32_2 = arith.constant 0 : i32
    %c0_i32_3 = arith.constant 0 : i32
    return %arg0, %max3A_0, %c0_i32, %c0_i32_1, %c0_i32_2 : i32, i32, i32, i32, i32
  }
  func.func @transform_3(%arg0: i32, %arg1: i32, %arg2: memref<64xi32, #tpu.memory_space<smem>>, %arg3: memref<64xi32, #tpu.memory_space<smem>>) -> (i32, i32, i32) {
    %c0_i32 = arith.constant 0 : i32
    %c0_i32_0 = arith.constant 0 : i32
    %c0_i32_1 = arith.constant 0 : i32
    return %arg0, %c0_i32, %c0_i32_0 : i32, i32, i32
  }
  func.func @transform_4(%arg0: i32, %arg1: i32, %arg2: memref<64xi32, #tpu.memory_space<smem>>, %arg3: memref<64xi32, #tpu.memory_space<smem>>) -> (i32, i32, i32) {
    %c0_i32 = arith.constant 0 : i32
    %c0_i32_0 = arith.constant 0 : i32
    %c0_i32_1 = arith.constant 0 : i32
    return %arg0, %c0_i32, %c0_i32_0 : i32, i32, i32
  }
  func.func @transform_5(%arg0: i32, %arg1: i32, %arg2: memref<64xi32, #tpu.memory_space<smem>>, %arg3: memref<64xi32, #tpu.memory_space<smem>>) -> (i32, i32, i32, i32, i32) {
    %c0_i32 = arith.constant 0 : i32
    %c0_i32_0 = arith.constant 0 : i32
    %c0_i32_1 = arith.constant 0 : i32
    %c0_i32_2 = arith.constant 0 : i32
    return %arg0, %arg1, %c0_i32, %c0_i32_0, %c0_i32_1 : i32, i32, i32, i32, i32
  }
}

</mosaic_0001>

<sc_bundles>
// kernel: sparse-core-data-format-call.cloned.1.call-start
scs
called_computation_lowered:
.L_overlay_start_0:
0x0: {  	s2 =	sld [smem:$0x3FD9]  }
0x1: {  	s3 =	sld [smem:$0x3FFE];
	_ =	sdelay $0x1  }
0x2: {  	s1 =	srdreg.scid  }
0x3: {  	s0 =	sand.u32 $0x1, s1  }
0x4: {  	s18 =	sshll.u32 s0, $0xA;
	s2 =	sadd.s32 s3, s2  }
0x5: {  	s2 =	sadd.s32 s2, s18  }
0x6: {  	[smem:$0x3FBF] =	sst s2  }
0x7: {  	_ = 	snop  }
0x8: {  	s2 =	sld [smem:$0x3FD0];
	(tm) =	ssettm $0x1  }
0x9: {  	s19 =	sld [smem:$0x3FFB];
	_ =	sdelay $0x3  }
0xa: {  	_ =	strace s19  }
0xb: {  	s3 =	sld [smem:$0x3FFC];
	_ =	sdelay $0x3  }
0xc: {  	_ =	strace s3  }
0xd: {  	s3 =	sld [smem:$0x3FFD];
	_ =	sdelay $0x3  }
0xe: {  	_ =	strace s3  }
0xf: {  	_ =	strace $0x8FFFFFFF  }
0x10: {  	s20 =	sld [smem:$0x3FDB];
	_ =	sdelay $0x1  }
0x11: {  	s4 =	simm.s32 $_scs_section_size  }
0x12: {  	s5 =	simm.s32 $_size__tile_overlayer_lowered;
	s6 =	simm.s32 $_tile_overlayer_lowered  }
0x13: {  	s23 =	simm.s32 $0x1BFF;
	s22 =	sshll.u32 s6, $0x1;
	s3 =	sadd.s32 s4, s20  }
0x14: {  	s7 =	simm.s32 $0x0;
	s21 =	sshll.u32 s5, $0x1;
	s5 =	sadd.s32 s22, s3  }
0x15: {  	[timem:s7], [sflag:s23] =	dma.local [hbm:s5], s21  }
0x16: {  	_ =	swait.ge [sflag:s23], s21  }
0x17: {  	s4 =	ssub.s32 $0x0, s21;
	[sflag:s23] =	ssyncset.done $0x0  }
0x18: {  	[sflag:s23] =	ssyncadd.s32 s4;
	_ =	sdelay $0x1  }
0x19: {  	s24 =	simm.s32 $0x1B8B  }
0x1a: {  	_ =	swait.ge [sflag:s24], $0x1  }
0x1b: {  	[sflag:s24] =	ssyncset.done $0x0  }
0x1c: {  	s26 =	simm.s32 $0x1B8E;
	s25 =	sld [smem:$0x3FFE];
	[sflag:s24] =	ssyncadd.s32 $0xFFFFFFFF  }
0x1d: {  	s27 =	simm.s32 $execute0_lowered;
	[smem:$0x3FD2] =	sst s26  }
0x1e: {  	s5 =	sshll.u32 s27, $0x1;
	_ =	strace $0x80000046;
	[dreg:$0x1] =	wrdreg $0xFFFFFFFF  }
0x1f: {  	s28 =	simm.s32 $_size_execute0_lowered;
	s3 =	sadd.s32 s3, s5;
	[dreg:$0x0] =	wrdreg $0x0  }
0x20: {  	s5 =	sshll.u32 s28, $0x1;
	[dreg:$0x2] =	wrdreg s3  }
0x21: {  	[dreg:$0x3] =	wrdreg s5  }
0x22: {  	[dreg:$0x4] =	wrdreg $0xC0  }
0x23: {  	_ =	task [dreg:s7], $0x5FFFF  }
0x24: {  	[dreg:$0x1] =	wrdreg $0xFFFFFFFF  }
0x25: {  	[dreg:$0x0] =	wrdreg $0x60  }
0x26: {  	[dreg:$0x2] =	wrdreg s25  }
0x27: {  	[dreg:$0x3] =	wrdreg s2  }
0x28: {  	[dreg:$0x4] =	wrdreg $0x9  }
0x29: {  	_ =	task.clear_ibuf [dreg:s7], $0x5FFFF;
	_ =	strace $0x90000046  }
0x2a: {  	s29 =	simm.s32 $0x9;
	_ =	strace $0x80000048  }
0x2b: {  	_ =	swait.ge [sflag:s29], $0x1  }
0x2c: {  	[sflag:s29] =	ssyncadd.s32 $0xFFFFFFFF  }
0x2d: {  	_ =	strace $0x90000048  }
0x2e: {  	_ =	sfence  }
0x2f: {  	s30 =	sld [smem:$0x0];
	_ =	sdelay $0x2  }
0x30: {  	s31 =	sshll.u32 s1, $0xD;
	s1 =	sshrl.u32 s1, $0x2  }
0x31: {  	s3 =	sand.u32 $0x4000, s31;
	s1 =	sadd.s32 s1, s30  }
0x32: {  	s0 =	sor.u32 s3, s0;
	s1 =	sshll.u32 s1, $0x11  }
0x33: {  	s0 =	sor.u32 s1, s0  }
0x34: {  	s0 =	sadd.s32 $0x8F2B, s0  }
0x35: {  	[sflag:s0] =	ssyncadd.remote.s32 $0x1  }
0x36: {  	_ =	sfence.sel $0xFFFF  }
0x37: {  	[dreg:$0x0] =	wrdreg $0xFFFFFFFF;
	(pc) =	sbr.abs _section_cstart, $3  }
0x38: {  	[dreg:$0x1] =	wrdreg $0xFFFFFFFF  }
0x39: {  	_ =	task.clear_ibuf [dreg:s7], $0x2FFFF;
	_ =	strace $0x9FFFFFFF  }
0x3a: {  	(tm) =	ssettm $0x7FFFFFFF  }
0x3b: {  	_ =	shalt  }
tec
execute0_lowered:
.L_overlay_start_1:
0x0: {  	(tag) =	ssettag $0x1  }
0x1: {  	s0 =	stileid.u32  }
0x2: {  	s2 =	srdreg.scid;
	s10 =	rddreg [dreg:$0x0]  }
0x3: {  	s8 =	simm.s32 $0x2;
	s22 =	simm.s32 $0x0;
	s12 =	simm.s32 $0x8000  }
0x4: {  	s20 =	simm.s32 $0x0;
	s21 =	simm.s32 $0x0;
	s13 =	simm.s32 $0x0  }
0x5: {  	s14 =	simm.s32 $0x0;
	s1 =	sshll.u32 s0, $0x2;
	s2 =	sshll.u32 s2, $0x7  }
0x6: {  	s15 =	simm.s32 $0x0;
	s2 =	sand.u32 $0x80, s2;
	s3 =	ssub.s32 $0x40, s1  }
0x7: {  	s5 =	sshrl.u32 s3, $0x6;
	s3 =	sand.u32 $0x3C, s3;
	s4 =	ssub.s32 $0x200, s2  }
0x8: {  	p0 =	sne.s32 s3, $0x0;
	s3 =	simm.s32 $0x1;
	s6 =	sshrl.u32 s4, $0x7  }
0x9: {  	s7 =	sshrl.u32 s4, $0x8;
	s3 =	simm.s32 @!p0 $0x0;
	s6 =	sand.u32 $0x1, s6  }
0xa: {  	s16 =	simm.s32 $0x0;
	s5 =	sadd.s32 s3, s5;
	s6 =	sadd.s32 s7, s6  }
0xb: {  	s19 =	simm.s32 $0x0;
	s9 =	sadd.s32 $0x1081A00, s10;
	s7 =	smul.u32 s6, s5  }
.Ltmp0:
0xc: {  	s18 =	smov.u32 s1;
	s4 =	rddreg [dreg:$0x1];
	(pc) =	sbr.rel .LBB1_1-.Ltmp0, $4  }
0xd: {  	s3 =	rddreg [dreg:$0x2];
	_ =	strace $0x80000047;
	s6 =	simm.s32 $0x1  }
0xe: {  	s17 =	smov.u32 s2;
	[sflag:s6] =	ssyncpa.u1 $0x0;
	s7 =	smul.u32 $0x1C, s7  }
0xf: {  	p0 =	por $0x0, $0x0;
	s5 =	sadd.s32 $0x1001A00, s10;
	[sflag:s8] =	ssyncpa.u1 $0x0  }
0x10: {  	s8 =	sadd.s32 $0x1041A00, s10;
	s10 =	sadd.s32 $0x10C1A00, s10;
	s11 =	sor.u32 $0x1, s7  }
.LBB1_7:
0x11: {  	p1 =	slt.u32 s19, $0x2  }
0x12: {  	s23 =	smov.u32 s22;
	p2 =	sgt.s32 @!p1 s22, $0x1B;
	s24 =	sshra.s32 @!p1 s22, $0x1F  }
0x13: {  	s25 =	sshra.s32 @!p1 s20, $0x1F;
	p2 =	por !p2, p1;
	s22 =	sand.u32 @!p1 s24, s22  }
0x14: {  	s24 =	sshra.s32 @!p1 s21, $0x1F;
	s23 =	simm.s32 @p2 $0x1B;
	p2 =	sgt.s32 @!p1 s21, $0x3C  }
0x15: {  	s22 =	ssub.s32 @!p1 s23, s22;
	p2 =	por !p2, p1;
	s23 =	smov.u32 s21  }
0x16: {  	s21 =	sand.u32 @!p1 s24, s21;
	s23 =	simm.s32 @p2 $0x3C;
	p2 =	sgt.s32 @!p1 s20, $0x180  }
0x17: {  	s24 =	smov.u32 s20;
	s20 =	sand.u32 @!p1 s25, s20;
	p2 =	por !p2, p1  }
0x18: {  	s21 =	ssub.s32 @!p1 s23, s21;
	s23 =	sadd.s32 @!p1 $0xFFFFFFE5, s22;
	s24 =	simm.s32 @p2 $0x180  }
0x19: {  	s22 =	ssub.s32 @!p1 $0x1C, s22;
	s20 =	ssub.s32 @!p1 s24, s20;
	s24 =	sadd.s32 @!p1 $0xFFFFFFC4, s21  }
0x1a: {  	s22 =	smul.u32 @!p1 $0x1C, s22;
	p2 =	sgt.s32 @!p1 s24, $0x3;
	s24 =	sadd.s32 @!p1 $0xFFFFFE80, s20  }
0x1b: {  	s21 =	ssub.s32 @!p1 $0x40, s21;
	p2 =	por !p2, p1;
	p3 =	sgt.s32 @!p1 s24, $0x7F  }
0x1c: {  	s20 =	ssub.s32 @!p1 $0x200, s20;
	s21 =	simm.s32 @!p2 $0x0;
	p2 =	por !p3, p1  }
0x1d: {  	s24 =	smov.u32 s17;
	p3 =	sgt.s32 @!p1 s23, $0x0;
	s20 =	simm.s32 @!p2 $0x0  }
0x1e: {  	s23 =	sadd.s32 $0x1, s16;
	p2 =	por !p3, p1;
	s20 =	smul.u32 @!p1 s21, s20  }
0x1f: {  	s22 =	simm.s32 @!p2 $0x0;
	p2 =	sgt.s32 s23, $0x1B;
	s21 =	sadd.s32 $0x100, s17  }
0x20: {  	p0 =	por !p0, !p0;
	s24 =	smov.u32 @p2 s21  }
0x21: {  	s25 =	smov.u32 s18;
	s21 =	sadd.s32 $0x40, s18;
	p3 =	sgt.s32 s24, $0x1FF  }
0x22: {  	s26 =	simm.s32 @!p1 $0x2;
	s23 =	simm.s32 @p2 $0x0;
	s25 =	smov.u32 @p3 s21  }
0x23: {  	s20 =	smul.u32 @!p1 s22, s20;
	s22 =	smov.u32 s13;
	p2 =	sgt.s32 s25, $0x3F  }
0x24: {  	s13 =	smov.u32 s16;
	s25 =	smov.u32 @p2 s1;
	p2 =	sne.s32 s19, s11  }
.Ltmp1:
0x25: {  	s16 =	smov.u32 s23;
	s24 =	smov.u32 @p3 s2;
	(pc) =	sbr.rel @!p2 .LBB1_8-.Ltmp1, $4  }
0x26: {  	s21 =	smov.u32 s15;
	s15 =	smov.u32 s18;
	s20 =	sand.u32 @!p1 $0x3FFFFFFC, s20  }
0x27: {  	_ =	swait.ge @!p1 [sflag:s26], s20;
	s27 =	ssub.s32 @!p1 $0x0, s20;
	s20 =	smov.u32 s14  }
0x28: {  	s19 =	sadd.s32 $0x1, s19;
	s14 =	smov.u32 s17;
	[sflag:s26] =	ssyncset.done @!p1 $0x0  }
0x29: {  	s17 =	smov.u32 s24;
	s18 =	smov.u32 s25;
	[sflag:s26] =	ssyncadd.s32 @!p1 s27  }
.LBB1_1:
0x2a: {  	p1 =	sge.u32 s19, s7  }
0x2b: {  	s23 =	sxor.u32 @!p1 $0xFFFFFFFF, s19;
	s24 =	sshll.u32 @!p1 s18, $0x12;
	s25 =	sshll.u32 @!p1 s17, $0x9  }
0x2c: {  	s27 =	sshll.u32 @!p1 s16, $0x4;
	s28 =	simm.s32 @!p1 $0x20;
	s26 =	sadd.s32 @!p1 s24, s25  }
0x2d: {  	s23 =	sshll.u32 @!p1 s23, $0xE;
	s27 =	sand.u32 @!p1 $0x1F0, s27;
	s26 =	sadd.s32 @!p1 s5, s26  }
0x2e: {  	s29 =	simm.s32 @!p1 $0x1000;
	s23 =	sand.u32 @!p1 $0x4000, s23;
	s26 =	sadd.s32 @!p1 s27, s26  }
0x2f: {  	[tilespmem:s23], [sflag:$0x1] =	stream.strided.gather @!p1 [hbm4b:s26+s28], $0x1000, s29, s28, $0x38;
	[tilespmem:$0x10100] =	vst v63  }
0x30: {  	s26 =	sadd.s32 @!p1 s24, s8  }
0x31: {  	s26 =	sadd.s32 @!p1 s25, s26  }
0x32: {  	s30 =	sor.u32 @!p1 $0x1000, s23;
	s26 =	sadd.s32 @!p1 s27, s26  }
0x33: {  	[tilespmem:s30], [sflag:$0x1] =	stream.strided.gather @!p1 [hbm4b:s26+s28], $0x1000, s29, s28, $0x38;
	[tilespmem:$0x10100] =	vst v63  }
0x34: {  	s26 =	sadd.s32 @!p1 s24, s9  }
0x35: {  	s24 =	sadd.s32 @!p1 s24, s10;
	s26 =	sadd.s32 @!p1 s25, s26  }
0x36: {  	s30 =	sor.u32 @!p1 $0x2000, s23;
	s24 =	sadd.s32 @!p1 s25, s24;
	s26 =	sadd.s32 @!p1 s27, s26  }
0x37: {  	[tilespmem:s30], [sflag:$0x1] =	stream.strided.gather @!p1 [hbm4b:s26+s28], $0x1000, s29, s28, $0x38;
	[tilespmem:$0x10100] =	vst v63  }
0x38: {  	s31 =	sadd.s32 $0xFFFFFFFF, s19;
	s23 =	sor.u32 @!p1 $0x3000, s23;
	s24 =	sadd.s32 @!p1 s27, s24  }
0x39: {  	[tilespmem:s23], [sflag:$0x1] =	stream.strided.gather @!p1 [hbm4b:s24+s28], $0x1000, s29, s28, $0x38;
	[tilespmem:$0x10100] =	vst v63  }
0x3a: {  	p1 =	sge.u32 s31, s7  }
.Ltmp2:
0x3b: {  	_ = 	snop;
	(pc) =	sbr.rel @p1 .LBB1_7-.Ltmp2, $1  }
0x3c: {  	_ =	sdelay $0x3  }
0x3d: {  	s23 =	simm.s32 $0x1;
	s25 =	sand.u32 $0x1, s19  }
0x3e: {  	_ =	swait.ge [sflag:s6], $0x4000;
	s23 =	simm.s32 @!p0 $0x0;
	s26 =	smul.u32 $0x10200, s25  }
0x3f: {  	[sflag:s6] =	ssyncset.done $0x0;
	s24 =	smul.u32 $0x10200, s23  }
0x40: {  	s23 =	sshll.u32 s23, $0xE;
	[sflag:s6] =	ssyncadd.s32 $0xFFFFC000  }
0x41: {  	s25 =	sor.u32 $0x10, s23;
	s31 =	sshrl.u32 s26, $0x2;
	s24 =	sshrl.u32 s24, $0x2  }
0x42: {  	s26 =	simm.s32 $0x0;
	s23 =	sor.u32 $0x8000, s31;
	s24 =	sor.u32 $0x8000, s24  }
.LBB1_3:
0x43: {  	v1 =	vld [tilespmem:s25+$0x0]  }
0x44: {  	v0 =	vld [tilespmem:s25+$0xFFFFFFF0];
	_ =	sdelay $0x2  }
0x45: {  	s29 =	sadd.s32 $0x0, s24  }
0x46: {  	s27 =	simm.s32 $0x4;
	s28 =	sadd.s32 $0x20, s25;
	[tilespmem:s29+$0x2040 ss:$0x204] =	vst.msk $0xffff, v1  }
.LBB1_4:
0x47: {  	v1 =	vld [tilespmem:s28+$0x0];
	p1 =	sne.s32 s27, $0x1FC;
	[tilespmem:s29+$0x0 ss:$0x204] =	vst.msk $0xffff, v0;
	s29 =	smov.u32 s27;
	s27 =	sadd.s32 $0x4, s27  }
.Ltmp3:
0x48: {  	v0 =	vld [tilespmem:s28+$0xFFFFFFF0];
	(pc) =	sbr.rel @p1 .LBB1_4-.Ltmp3, $4  }
0x49: {  	_ = 	snop  }
0x4a: {  	s29 =	sshra.s32 s29, $0x2  }
0x4b: {  	s29 =	sadd.s32 s29, s24  }
0x4c: {  	s28 =	sadd.s32 $0x20, s28;
	[tilespmem:s29+$0x2040 ss:$0x204] =	vst.msk $0xffff, v1  }
0x4d: {  	s26 =	sadd.s32 $0x1, s26  }
0x4e: {  	p1 =	sne.s32 s26, $0x4  }
.Ltmp4:
0x4f: {  	_ = 	snop;
	(pc) =	sbr.rel @p1 .LBB1_3-.Ltmp4, $2  }
0x50: {  	_ =	sdelay $0x2  }
0x51: {  	[tilespmem:s29+$0x0 ss:$0x204] =	vst.msk $0xffff, v0;
	s24 =	sadd.s32 $0x81, s24;
	s25 =	sadd.s32 $0x1000, s25  }
0x52: {  	s24 =	sshll.u32 s15, $0x9;
	s25 =	sshll.u32 s14, $0x3  }
0x53: {  	s26 =	sshll.u32 s15, $0x7;
	p1 =	sgt.s32 s15, $0x3C;
	s27 =	sshra.s32 s15, $0x1F  }
0x54: {  	p2 =	sgt.s32 s13, $0x1B;
	s28 =	sshra.s32 s14, $0x1F;
	s31 =	sshra.s32 s13, $0x1F  }
0x55: {  	s24 =	sand.u32 $0x7000, s24;
	s25 =	sand.u32 $0x7C00, s25;
	s30 =	sand.u32 $0x200, s26  }
0x56: {  	s27 =	sand.u32 s27, s15;
	s24 =	sadd.s32 s24, s25;
	s25 =	smov.u32 s15  }
0x57: {  	s28 =	sand.u32 s28, s14;
	s26 =	sand.u32 $0x180, s26;
	s25 =	simm.s32 @!p1 $0x3C  }
0x58: {  	p1 =	sgt.s32 s14, $0x180;
	s25 =	ssub.s32 s25, s27;
	s27 =	smov.u32 s14  }
0x59: {  	s24 =	sor.u32 s30, s24;
	s29 =	sadd.s32 $0xFFFFFFC4, s25;
	s27 =	simm.s32 @!p1 $0x180  }
0x5a: {  	s25 =	ssub.s32 $0x40, s25;
	p1 =	sgt.s32 s29, $0x3;
	s29 =	smov.u32 s13  }
0x5b: {  	s27 =	ssub.s32 s27, s28;
	s28 =	sand.u32 s31, s13;
	s29 =	simm.s32 @!p2 $0x1B  }
0x5c: {  	s25 =	simm.s32 @p1 $0x0;
	s30 =	sadd.s32 $0xFFFFFE80, s27;
	s28 =	ssub.s32 s29, s28  }
0x5d: {  	s27 =	ssub.s32 $0x200, s27;
	p1 =	sgt.s32 s30, $0x7F;
	s31 =	ssub.s32 $0x1C, s28  }
0x5e: {  	s24 =	sshrl.u32 s24, $0x3;
	s27 =	simm.s32 @p1 $0x0;
	s29 =	smul.u32 $0x1C, s31  }
0x5f: {  	s30 =	sand.u32 $0x78, s14;
	s28 =	sadd.s32 $0xFFFFFFE5, s28;
	s25 =	smul.u32 s25, s27  }
0x60: {  	s26 =	sor.u32 s30, s26;
	p1 =	sgt.s32 s28, $0x0;
	s31 =	smul.u32 $0x1C000, s13  }
.Ltmp5:
0x61: {  	s26 =	sshrl.u32 s26, $0x3;
	s29 =	simm.s32 @p1 $0x0;
	(pc) =	sbr.rel .LBB1_7-.Ltmp5, $4  }
0x62: {  	s27 =	sadd.s32 s4, s31;
	s25 =	smul.u32 s29, s25;
	s29 =	sand.u32 $0x7, s14  }
0x63: {  	s24 =	sand.u32 $0xFC0, s24;
	s26 =	sadd.s32 s26, s27;
	s30 =	sshll.u32 s29, $0x12  }
0x64: {  	s24 =	sadd.s32 s24, s26;
	s25 =	sand.u32 $0x3FFFFFFC, s25;
	s31 =	sor.u32 $0x200, s30  }
0x65: {  	[hbm4b:s24+s31] =	stream.strided.scatter [tilespmem:s23], [sflag:$0x2], s25, s12, s31, $0x20;
	[tilespmem:$0x10100] =	vst v63  }
.LBB1_8:
0x66: {  	_ =	sfence.sel $0x180000  }
0x67: {  	s1 =	simm.s32 $0x1;
	[bflag:$0x0] =	sbarrier.arrive $0xFFFF  }
0x68: {  	s31 =	simm.s32 $0x2;
	[sflag:s1] =	ssyncpa.u1 $0x1  }
0x69: {  	[sflag:s31] =	ssyncpa.u1 $0x1  }
0x6a: {  	p0 =	sne.s32 s0, $0x0;
	_ =	strace $0x90000047  }
0x6b: {  	s0 =	sadd.s32 @!p0 $0x100000, s3;
	[bflag:$0x2] =	sbarrier.arrive $0xFFFF  }
0x6c: {  	[sflag:s0] =	ssyncadd.tile.s32 @!p0 $0x1;
	_ =	shalt  }
.Lfunc_end1:
_tile_overlayer_lowered:
.L_overlay_start_2:
0x6d: {  	(tag) =	ssettag $0x2  }
0x6e: {  	s0 =	rddreg [dreg:$0x0];
	s2 =	stileid.u32  }
0x6f: {  	s1 =	rddreg [dreg:$0x1];
	p0 =	sne.s32 s2, $0x0  }
0x70: {  	s3 =	rddreg [dreg:$0x2];
	[bflag:$0x3] =	sbarrier.arrive $0xFFFF;
	s2 =	simm.s32 @!p0 $0x1C01  }
0x71: {  	[timem:s3], [sflag:s2] =	dma.local @!p0 [hbm:s0], s1  }
0x72: {  	s0 =	simm.s32 @!p0 $0x1  }
0x73: {  	_ =	swait.ge @!p0 [sflag:s0], s1  }
0x74: {  	s1 =	ssub.s32 @!p0 $0x0, s1;
	[sflag:s0] =	ssyncset.done @!p0 $0x0  }
0x75: {  	[sflag:s0] =	ssyncadd.s32 @!p0 s1  }
0x76: {  	[bflag:$0x3] =	sbarrier.arrive $0xFFFF  }
0x77: {  	_ =	shalt  }

</sc_bundles>
